<compile_context>
chip_gen: v7x
topology: tpu7x:2x2x1
jax: 0.10.2.dev20260603
libtpu: 0.0.44.dev20260713+nightly
codegen_flags: <defaults>
</compile_context>

<pallas_src>
import functools

import jax
import jax.numpy as jnp
from jax import lax
from jax.experimental import pallas as pl
from jax.experimental.pallas import tpu as pltpu
from jax.experimental.pallas import tpu_sc as plsc

_N = 1048576
_D = 64
_CODE_LEN = 20
_NB = 1048576

_BR = 8192


def _bucket_body(x_ref, w_ref, out_ref):
    y = jnp.dot(x_ref[...], w_ref[...], preferred_element_type=jnp.float32)
    k = lax.broadcasted_iota(jnp.int32, y.shape, 1)
    vals = jnp.where(y > 0, jnp.int32(1) << (_CODE_LEN - 1 - k), 0)
    out_ref[...] = jnp.sum(vals, axis=1)


_bucket_call = pl.pallas_call(
    _bucket_body,
    grid=(_N // _BR,),
    in_specs=[
        pl.BlockSpec((_BR, _D), lambda i: (i, 0)),
        pl.BlockSpec((_D, _CODE_LEN), lambda i: (0, 0)),
    ],
    out_specs=pl.BlockSpec((_BR,), lambda i: (i,)),
    out_shape=jax.ShapeDtypeStruct((_N,), jnp.int32),
)

_NC = 2
_NS = 16
_NW = _NC * _NS
_ROWS = _N // 128
_RPT = _ROWS // _NW

_sc_mesh = plsc.VectorSubcoreMesh(core_axis_name="c", subcore_axis_name="s")


@functools.partial(
    pl.kernel,
    out_type=jax.ShapeDtypeStruct((_NC, _NB), jnp.float32),
    mesh=_sc_mesh,
    scratch_types=[
        pltpu.VMEM((_RPT, 128), jnp.int32),
        pltpu.VMEM((128,), jnp.float32),
        pltpu.VMEM_SHARED((_NB,), jnp.float32),
    ],
)
def _hist_call(buckets_hbm, zeros_hbm, out_hbm, idx_v, ones_v, hist_sh):
    c = lax.axis_index("c")
    s = lax.axis_index("s")
    wid = c * _NS + s
    for i in range(8):
        ones_v[pl.ds(i * 16, 16)] = jnp.ones((16,), jnp.float32)
    @pl.when(s == 0)
    def _():
        pltpu.sync_copy(zeros_hbm, hist_sh)

    pltpu.sync_copy(buckets_hbm.at[pl.ds(wid * _RPT, _RPT)], idx_v)
    plsc.subcore_barrier()

    def body(j, carry):
        pltpu.sync_copy(ones_v, hist_sh.at[idx_v.at[j]], add=True)
        return carry

    lax.fori_loop(0, _RPT, body, 0)
    plsc.subcore_barrier()

    @pl.when(s == 0)
    def _():
        pltpu.sync_copy(hist_sh, out_hbm.at[c])


def _merge_body(p_ref, o_ref):
    o_ref[...] = p_ref[0, :] + p_ref[1, :]


_merge_call = pl.pallas_call(
    _merge_body,
    out_shape=jax.ShapeDtypeStruct((_NB,), jnp.float32),
)


def kernel(items, W):
    buckets = _bucket_call(items, W)
    zeros = jnp.zeros((_NB,), jnp.float32)
    partials = _hist_call(buckets.reshape(_ROWS, 128), zeros)
    counts = _merge_call(partials)
    return buckets, counts

# --- scband reference (transcript-rebuilt; emitter-appended) ---
"""Pipeline reference for scband-hash-counter-64493228917034 (READ-ONLY COPY).

The authoritative reference and input builder live on the scoring server;
editing this copy changes nothing except your own understanding.
"""

import jax, jax.numpy as jnp
import numpy as np

NUM_BUCKETS = 1048576
CODE_LEN = 20  # ceil(log2(NUM_BUCKETS))
N_ITEMS = 1048576
D_ITEM = 64


def setup_inputs(seed: int = 0) -> dict:
    key = jax.random.key(seed)
    k1, k2 = jax.random.split(key)
    items = jax.random.normal(k1, (N_ITEMS, D_ITEM), dtype=jnp.float32)
    # hash_fn parameters: sign-random-projection LSH producing CODE_LEN-bit codes
    W = jax.random.normal(k2, (D_ITEM, CODE_LEN), dtype=jnp.float32)
    return {"items": items, "W": W}


def reference(items, W):
    # hash_fn(items): sign random projection -> binary codes [N, CODE_LEN]
    hash_codes = (items @ W > 0).astype(jnp.float32)
    # powers_of_two buffer: 2 ** arange(code_len-1, -1, -1)
    powers_of_two = (2 ** jnp.arange(CODE_LEN - 1, -1, -1)).astype(jnp.float32)
    # hash_buckets = (hash_codes @ powers_of_two).long()
    hash_buckets = (hash_codes @ powers_of_two).astype(jnp.int32)
    # acc.put_(hash_buckets, ones, accumulate=True)  -> scatter-add histogram
    ones = jnp.ones((items.shape[0],), dtype=jnp.float32)
    counts = jnp.zeros((NUM_BUCKETS,), dtype=jnp.float32).at[hash_buckets].add(ones)
    # Module returns hash_buckets; counts is the updated accumulator buffer (side effect)
    return hash_buckets, counts

if __name__ == "__main__":
    import jax
    _d = setup_inputs()
    print(jax.jit(kernel)(*tuple(_d.values())))

</pallas_src>

<mosaic_0001>
#map = affine_map<(d0, d1) -> (0, 0)>
#map1 = affine_map<(d0, d1) -> (0)>
module attributes {stable_mosaic.version = 14 : i64} {
  func.func @_hist_call(%arg0: i32, %arg1: i32, %arg2: memref<8192x128xi32, #tpu.memory_space<hbm>>, %arg3: memref<1048576xf32, #tpu.memory_space<hbm>>, %arg4: memref<2x1048576xf32, #tpu.memory_space<hbm>>, %arg5: memref<256x128xi32, #tpu.memory_space<vmem>>, %arg6: memref<128xf32, #tpu.memory_space<vmem>>, %arg7: memref<1048576xf32, #tpu.memory_space<vmem_shared>>) attributes {dimension_semantics = [#tpu.dimension_semantics<core_parallel>, #tpu.dimension_semantics<subcore_parallel>], iteration_bounds = array<i64: 2, 16>, scalar_prefetch = 0 : i64, scratch_operands = 3 : i64, tpu.core_type = #tpu.core_type<sc_vector_subcore>, window_params = [{transform_indices = #map}, {transform_indices = #map1}, {transform_indices = #map}]} {
    %mul3A = arith.constant 16 : i32
    %mul3A_0 = arith.muli %arg0, %mul3A : i32
    %add3A = arith.addi %mul3A_0, %arg1 : i32
    %broadcast_in_dim3A = arith.constant 1.000000e+00 : f32
    %broadcast_in_dim3A_1 = vector.broadcast %broadcast_in_dim3A : f32 to vector<16xf32>
    %swap3A = arith.constant 0 : index
    %swap3A_2 = tpu.vector_load %arg6[%swap3A] {strides = array<i32>} : memref<128xf32, #tpu.memory_space<vmem>>, vector<16xf32>,
    %swap3A_3 = vector.shape_cast %swap3A_2 : vector<16xf32> to vector<16xf32>
    %swap3A_4 = vector.shape_cast %broadcast_in_dim3A_1 : vector<16xf32> to vector<16xf32>
    tpu.vector_store %arg6[%swap3A], %swap3A_4 {strides = array<i32>} : memref<128xf32, #tpu.memory_space<vmem>>, vector<16xf32>,
    %broadcast_in_dim3A_5 = arith.constant 1.000000e+00 : f32
    %broadcast_in_dim3A_6 = vector.broadcast %broadcast_in_dim3A_5 : f32 to vector<16xf32>
    %swap3A_7 = arith.constant 16 : index
    %swap3A_8 = tpu.vector_load %arg6[%swap3A_7] {strides = array<i32>} : memref<128xf32, #tpu.memory_space<vmem>>, vector<16xf32>,
    %swap3A_9 = vector.shape_cast %swap3A_8 : vector<16xf32> to vector<16xf32>
    %swap3A_10 = vector.shape_cast %broadcast_in_dim3A_6 : vector<16xf32> to vector<16xf32>
    tpu.vector_store %arg6[%swap3A_7], %swap3A_10 {strides = array<i32>} : memref<128xf32, #tpu.memory_space<vmem>>, vector<16xf32>,
    %broadcast_in_dim3A_11 = arith.constant 1.000000e+00 : f32
    %broadcast_in_dim3A_12 = vector.broadcast %broadcast_in_dim3A_11 : f32 to vector<16xf32>
    %swap3A_13 = arith.constant 32 : index
    %swap3A_14 = tpu.vector_load %arg6[%swap3A_13] {strides = array<i32>} : memref<128xf32, #tpu.memory_space<vmem>>, vector<16xf32>,
    %swap3A_15 = vector.shape_cast %swap3A_14 : vector<16xf32> to vector<16xf32>
    %swap3A_16 = vector.shape_cast %broadcast_in_dim3A_12 : vector<16xf32> to vector<16xf32>
    tpu.vector_store %arg6[%swap3A_13], %swap3A_16 {strides = array<i32>} : memref<128xf32, #tpu.memory_space<vmem>>, vector<16xf32>,
    %broadcast_in_dim3A_17 = arith.constant 1.000000e+00 : f32
    %broadcast_in_dim3A_18 = vector.broadcast %broadcast_in_dim3A_17 : f32 to vector<16xf32>
    %swap3A_19 = arith.constant 48 : index
    %swap3A_20 = tpu.vector_load %arg6[%swap3A_19] {strides = array<i32>} : memref<128xf32, #tpu.memory_space<vmem>>, vector<16xf32>,
    %swap3A_21 = vector.shape_cast %swap3A_20 : vector<16xf32> to vector<16xf32>
    %swap3A_22 = vector.shape_cast %broadcast_in_dim3A_18 : vector<16xf32> to vector<16xf32>
    tpu.vector_store %arg6[%swap3A_19], %swap3A_22 {strides = array<i32>} : memref<128xf32, #tpu.memory_space<vmem>>, vector<16xf32>,
    %broadcast_in_dim3A_23 = arith.constant 1.000000e+00 : f32
    %broadcast_in_dim3A_24 = vector.broadcast %broadcast_in_dim3A_23 : f32 to vector<16xf32>
    %swap3A_25 = arith.constant 64 : index
    %swap3A_26 = tpu.vector_load %arg6[%swap3A_25] {strides = array<i32>} : memref<128xf32, #tpu.memory_space<vmem>>, vector<16xf32>,
    %swap3A_27 = vector.shape_cast %swap3A_26 : vector<16xf32> to vector<16xf32>
    %swap3A_28 = vector.shape_cast %broadcast_in_dim3A_24 : vector<16xf32> to vector<16xf32>
    tpu.vector_store %arg6[%swap3A_25], %swap3A_28 {strides = array<i32>} : memref<128xf32, #tpu.memory_space<vmem>>, vector<16xf32>,
    %broadcast_in_dim3A_29 = arith.constant 1.000000e+00 : f32
    %broadcast_in_dim3A_30 = vector.broadcast %broadcast_in_dim3A_29 : f32 to vector<16xf32>
    %swap3A_31 = arith.constant 80 : index
    %swap3A_32 = tpu.vector_load %arg6[%swap3A_31] {strides = array<i32>} : memref<128xf32, #tpu.memory_space<vmem>>, vector<16xf32>,
    %swap3A_33 = vector.shape_cast %swap3A_32 : vector<16xf32> to vector<16xf32>
    %swap3A_34 = vector.shape_cast %broadcast_in_dim3A_30 : vector<16xf32> to vector<16xf32>
    tpu.vector_store %arg6[%swap3A_31], %swap3A_34 {strides = array<i32>} : memref<128xf32, #tpu.memory_space<vmem>>, vector<16xf32>,
    %broadcast_in_dim3A_35 = arith.constant 1.000000e+00 : f32
    %broadcast_in_dim3A_36 = vector.broadcast %broadcast_in_dim3A_35 : f32 to vector<16xf32>
    %swap3A_37 = arith.constant 96 : index
    %swap3A_38 = tpu.vector_load %arg6[%swap3A_37] {strides = array<i32>} : memref<128xf32, #tpu.memory_space<vmem>>, vector<16xf32>,
    %swap3A_39 = vector.shape_cast %swap3A_38 : vector<16xf32> to vector<16xf32>
    %swap3A_40 = vector.shape_cast %broadcast_in_dim3A_36 : vector<16xf32> to vector<16xf32>
    tpu.vector_store %arg6[%swap3A_37], %swap3A_40 {strides = array<i32>} : memref<128xf32, #tpu.memory_space<vmem>>, vector<16xf32>,
    %broadcast_in_dim3A_41 = arith.constant 1.000000e+00 : f32
    %broadcast_in_dim3A_42 = vector.broadcast %broadcast_in_dim3A_41 : f32 to vector<16xf32>
    %swap3A_43 = arith.constant 112 : index
    %swap3A_44 = tpu.vector_load %arg6[%swap3A_43] {strides = array<i32>} : memref<128xf32, #tpu.memory_space<vmem>>, vector<16xf32>,
    %swap3A_45 = vector.shape_cast %swap3A_44 : vector<16xf32> to vector<16xf32>
    %swap3A_46 = vector.shape_cast %broadcast_in_dim3A_42 : vector<16xf32> to vector<16xf32>
    tpu.vector_store %arg6[%swap3A_43], %swap3A_46 {strides = array<i32>} : memref<128xf32, #tpu.memory_space<vmem>>, vector<16xf32>,
    %eq3A = arith.constant 0 : i32
    %eq3A_47 = arith.cmpi eq, %arg1, %eq3A : i32
    %convert_element_type3A = arith.extui %eq3A_47 : i1 to i32
    %cond3A = arith.constant 0 : i32
    %cond3A_48 = arith.cmpi ne, %convert_element_type3A, %cond3A : i32
    scf.if %cond3A_48 {
      "tpu.region"() ({
        %run_scoped3A = tpu.sem_alloc : memref<!tpu.dma_semaphore, #tpu.memory_space<semaphore_mem>>
        tpu.enqueue_dma source(%arg3 : memref<1048576xf32, #tpu.memory_space<hbm>>) target(%arg7 : memref<1048576xf32, #tpu.memory_space<vmem_shared>>) target_semaphore(%run_scoped3A : memref<!tpu.dma_semaphore, #tpu.memory_space<semaphore_mem>>)
        tpu.wait_dma2 semaphore(%run_scoped3A : memref<!tpu.dma_semaphore, #tpu.memory_space<semaphore_mem>>) src(%arg3 : memref<1048576xf32, #tpu.memory_space<hbm>>) dst(%arg7 : memref<1048576xf32, #tpu.memory_space<vmem_shared>>)
        tpu.yield
      }) : () -> ()
    } else {
    }
    %mul3A_49 = arith.constant 256 : i32
    %mul3A_50 = arith.muli %add3A, %mul3A_49 : i32
    "tpu.region"() ({
      %run_scoped3A = tpu.sem_alloc : memref<!tpu.dma_semaphore, #tpu.memory_space<semaphore_mem>>
      %dma_start3A = arith.constant 0 : i32
      %dma_start3A_62 = tpu.memref_slice %arg2[%mul3A_50, %dma_start3A] : memref<8192x128xi32, #tpu.memory_space<hbm>> -> memref<256x128xi32, #tpu.memory_space<hbm>>
      %dma_start3A_63 = arith.constant 0 : i32
      %dma_start3A_64 = tpu.memref_slice %arg2[%mul3A_50, %dma_start3A_63] : memref<8192x128xi32, #tpu.memory_space<hbm>> -> memref<256x128xi32, #tpu.memory_space<hbm>>
      tpu.enqueue_dma source(%dma_start3A_64 : memref<256x128xi32, #tpu.memory_space<hbm>>) target(%arg5 : memref<256x128xi32, #tpu.memory_space<vmem>>) target_semaphore(%run_scoped3A : memref<!tpu.dma_semaphore, #tpu.memory_space<semaphore_mem>>)
      %dma_wait3A = arith.constant 0 : i32
      %dma_wait3A_65 = tpu.memref_slice %arg2[%mul3A_50, %dma_wait3A] : memref<8192x128xi32, #tpu.memory_space<hbm>> -> memref<256x128xi32, #tpu.memory_space<hbm>>
      %dma_wait3A_66 = arith.constant 0 : i32
      %dma_wait3A_67 = tpu.memref_slice %arg2[%mul3A_50, %dma_wait3A_66] : memref<8192x128xi32, #tpu.memory_space<hbm>> -> memref<256x128xi32, #tpu.memory_space<hbm>>
      tpu.wait_dma2 semaphore(%run_scoped3A : memref<!tpu.dma_semaphore, #tpu.memory_space<semaphore_mem>>) src(%dma_wait3A_67 : memref<256x128xi32, #tpu.memory_space<hbm>>) dst(%arg5 : memref<256x128xi32, #tpu.memory_space<vmem>>)
      tpu.yield
    }) : () -> ()
    %barrier3A = arith.constant 0 : index
    tpu.barrier barrier_id(%barrier3A)
    %scan3A = arith.constant 0 : i32
    %scan3A_51 = arith.constant 0 : i32
    %scan3A_52 = arith.constant 256 : i32
    %scan3A_53 = arith.addi %scan3A_51, %scan3A_52 : i32
    %scan3A_54 = arith.constant 1 : i32
    scf.for %scan3A_62 = %scan3A_51 to %scan3A_53 step %scan3A_54  : i32 {
      "tpu.region"() ({
        %run_scoped3A = tpu.sem_alloc : memref<!tpu.dma_semaphore, #tpu.memory_space<semaphore_mem>>
        %dma_start3A = arith.constant 0 : i32
        %dma_start3A_63 = tpu.memref_slice %arg5[%scan3A_62, %dma_start3A] : memref<256x128xi32, #tpu.memory_space<vmem>> -> memref<1x128xi32, #tpu.memory_space<vmem>>
        %dma_start3A_64 = tpu.memref_squeeze %dma_start3A_63 : memref<1x128xi32, #tpu.memory_space<vmem>> -> memref<128xi32, #tpu.memory_space<vmem>>
        %dma_start3A_65 = arith.constant 0 : i32
        %dma_start3A_66 = tpu.memref_slice %arg7[%dma_start3A_65] : memref<1048576xf32, #tpu.memory_space<vmem_shared>> -> memref<1048576xf32, #tpu.memory_space<vmem_shared>>
        tpu.enqueue_indirect_dma source(%arg6 : memref<128xf32, #tpu.memory_space<vmem>>) target(%dma_start3A_66 : memref<1048576xf32, #tpu.memory_space<vmem_shared>>) offsets(%dma_start3A_64 : memref<128xi32, #tpu.memory_space<vmem>>) semaphore(%run_scoped3A : memref<!tpu.dma_semaphore, #tpu.memory_space<semaphore_mem>>) {add = true}
        %dma_wait3A = arith.constant 0 : i32
        %dma_wait3A_67 = tpu.memref_slice %arg5[%scan3A_62, %dma_wait3A] : memref<256x128xi32, #tpu.memory_space<vmem>> -> memref<1x128xi32, #tpu.memory_space<vmem>>
        %dma_wait3A_68 = tpu.memref_squeeze %dma_wait3A_67 : memref<1x128xi32, #tpu.memory_space<vmem>> -> memref<128xi32, #tpu.memory_space<vmem>>
        %dma_wait3A_69 = arith.constant 0 : i32
        %dma_wait3A_70 = tpu.memref_slice %arg7[%dma_wait3A_69] : memref<1048576xf32, #tpu.memory_space<vmem_shared>> -> memref<1048576xf32, #tpu.memory_space<vmem_shared>>
        tpu.wait_indirect_dma semaphore(%run_scoped3A : memref<!tpu.dma_semaphore, #tpu.memory_space<semaphore_mem>>) src(%arg6 : memref<128xf32, #tpu.memory_space<vmem>>) dst(%dma_wait3A_70 : memref<1048576xf32, #tpu.memory_space<vmem_shared>>)
        tpu.yield
      }) : () -> ()
    }
    %scan3A_55 = arith.constant 256 : i32
    %barrier3A_56 = arith.constant 0 : index
    tpu.barrier barrier_id(%barrier3A_56)
    %eq3A_57 = arith.constant 0 : i32
    %eq3A_58 = arith.cmpi eq, %arg1, %eq3A_57 : i32
    %convert_element_type3A_59 = arith.extui %eq3A_58 : i1 to i32
    %cond3A_60 = arith.constant 0 : i32
    %cond3A_61 = arith.cmpi ne, %convert_element_type3A_59, %cond3A_60 : i32
    scf.if %cond3A_61 {
      "tpu.region"() ({
        %run_scoped3A = tpu.sem_alloc : memref<!tpu.dma_semaphore, #tpu.memory_space<semaphore_mem>>
        %dma_start3A = arith.constant 0 : i32
        %dma_start3A_62 = tpu.memref_slice %arg4[%arg0, %dma_start3A] : memref<2x1048576xf32, #tpu.memory_space<hbm>> -> memref<1x1048576xf32, #tpu.memory_space<hbm>>
        %dma_start3A_63 = tpu.memref_squeeze %dma_start3A_62 : memref<1x1048576xf32, #tpu.memory_space<hbm>> -> memref<1048576xf32, #tpu.memory_space<hbm>>
        tpu.enqueue_dma source(%arg7 : memref<1048576xf32, #tpu.memory_space<vmem_shared>>) target(%dma_start3A_63 : memref<1048576xf32, #tpu.memory_space<hbm>>) target_semaphore(%run_scoped3A : memref<!tpu.dma_semaphore, #tpu.memory_space<semaphore_mem>>)
        %dma_wait3A = arith.constant 0 : i32
        %dma_wait3A_64 = tpu.memref_slice %arg4[%arg0, %dma_wait3A] : memref<2x1048576xf32, #tpu.memory_space<hbm>> -> memref<1x1048576xf32, #tpu.memory_space<hbm>>
        %dma_wait3A_65 = tpu.memref_squeeze %dma_wait3A_64 : memref<1x1048576xf32, #tpu.memory_space<hbm>> -> memref<1048576xf32, #tpu.memory_space<hbm>>
        tpu.wait_dma2 semaphore(%run_scoped3A : memref<!tpu.dma_semaphore, #tpu.memory_space<semaphore_mem>>) src(%arg7 : memref<1048576xf32, #tpu.memory_space<vmem_shared>>) dst(%dma_wait3A_65 : memref<1048576xf32, #tpu.memory_space<hbm>>)
        tpu.yield
      }) : () -> ()
    } else {
    }
    return
  }
}

module attributes {stable_mosaic.version = 14 : i64} {
  func.func @_bucket_body(%arg0: i32, %arg1: memref<8192x64xf32, #tpu.memory_space<vmem>>, %arg2: memref<64x20xf32, #tpu.memory_space<vmem>>, %arg3: memref<8192xi32, #tpu.memory_space<vmem>>) attributes {dimension_semantics = [#tpu.dimension_semantics<arbitrary>], iteration_bounds = array<i64: 128>, scalar_prefetch = 0 : i64, scratch_operands = 0 : i64, tpu.core_type = #tpu.core_type<tc>, window_params = [{transform_indices = @transform_0, window_bounds = array<i64: 8192, 64>}, {pipeline_mode = #tpu.pipeline_mode<synchronous>, transform_indices = @transform_1, window_bounds = array<i64: 64, 20>}, {transform_indices = @transform_2, window_bounds = array<i64: 8192>}]} {
    %get3A = arith.constant 0 : index
    %get3A_0 = arith.constant 0 : index
    %get3A_1 = vector.load %arg1[%get3A, %get3A_0] : memref<8192x64xf32, #tpu.memory_space<vmem>>, vector<8192x64xf32>
    %get3A_2 = arith.constant 0 : index
    %get3A_3 = arith.constant 0 : index
    %get3A_4 = vector.load %arg2[%get3A_2, %get3A_3] : memref<64x20xf32, #tpu.memory_space<vmem>>, vector<64x20xf32>
    %dot_general3A = arith.constant dense<0.000000e+00> : vector<8192x20xf32>
    %dot_general3A_5 = tpu.matmul %get3A_1, %get3A_4, %dot_general3A {dimension_numbers = #tpu.dot_dimension_numbers<[1], [0], [0], [1], [0, 0, 1, 1], [], []>, transpose_lhs_hint = false} : vector<8192x64xf32>, vector<64x20xf32>, vector<8192x20xf32> -> vector<8192x20xf32>
    %iota3A = tpu.iota {dimensions = array<i32: 1>} : vector<8192x20xi32>
    %gt3A = arith.constant 0.000000e+00 : f32
    %gt3A_6 = vector.broadcast %gt3A : f32 to vector<8192x20xf32>
    %gt3A_7 = arith.cmpf ogt, %dot_general3A_5, %gt3A_6 : vector<8192x20xf32>
    %sub3A = arith.constant 19 : i32
    %sub3A_8 = vector.broadcast %sub3A : i32 to vector<8192x20xi32>
    %sub3A_9 = arith.subi %sub3A_8, %iota3A : vector<8192x20xi32>
    %shift_left3A = arith.constant 1 : i32
    %shift_left3A_10 = vector.broadcast %shift_left3A : i32 to vector<8192x20xi32>
    %shift_left3A_11 = arith.shli %shift_left3A_10, %sub3A_9 : vector<8192x20xi32>
    %jit3A = arith.constant 0 : i32
    %broadcast_in_dim3A = vector.broadcast %jit3A : i32 to vector<8192x20xi32>
    %select_n3A = arith.select %gt3A_7, %shift_left3A_11, %broadcast_in_dim3A : vector<8192x20xi1>, vector<8192x20xi32>
    %reduce_sum3A = arith.constant dense<0> : vector<8192xi32>
    %reduce_sum3A_12 = vector.multi_reduction <add>, %select_n3A, %reduce_sum3A [1] : vector<8192x20xi32> to vector<8192xi32>
    %swap3A = arith.constant 0 : index
    %swap3A_13 = vector.load %arg3[%swap3A] : memref<8192xi32, #tpu.memory_space<vmem>>, vector<8192xi32>
    tpu.vector_store %arg3[%swap3A], %reduce_sum3A_12 {strides = array<i32>} : memref<8192xi32, #tpu.memory_space<vmem>>, vector<8192xi32>,
    return
  }
  func.func @transform_0(%arg0: i32) -> (i32, i32) {
    %c0_i32 = arith.constant 0 : i32
    %c0_i32_0 = arith.constant 0 : i32
    return %arg0, %c0_i32 : i32, i32
  }
  func.func @transform_1(%arg0: i32) -> (i32, i32) {
    %c0_i32 = arith.constant 0 : i32
    %c0_i32_0 = arith.constant 0 : i32
    %c0_i32_1 = arith.constant 0 : i32
    return %c0_i32, %c0_i32_0 : i32, i32
  }
  func.func @transform_2(%arg0: i32) -> i32 {
    %c0_i32 = arith.constant 0 : i32
    return %arg0 : i32
  }
}

module attributes {stable_mosaic.version = 14 : i64} {
  func.func @_merge_body(%arg0: memref<2x1048576xf32, #tpu.memory_space<vmem>>, %arg1: memref<1048576xf32, #tpu.memory_space<vmem>>) attributes {dimension_semantics = [], scalar_prefetch = 0 : i64, scratch_operands = 0 : i64, tpu.core_type = #tpu.core_type<tc>} {
    %get3A = arith.constant 0 : index
    %get3A_0 = arith.constant 0 : index
    %get3A_1 = vector.load %arg0[%get3A, %get3A_0] : memref<2x1048576xf32, #tpu.memory_space<vmem>>, vector<1x1048576xf32>
    %get3A_2 = vector.shape_cast %get3A_1 : vector<1x1048576xf32> to vector<1048576xf32>
    %get3A_3 = arith.constant 1 : index
    %get3A_4 = arith.constant 0 : index
    %get3A_5 = vector.load %arg0[%get3A_3, %get3A_4] : memref<2x1048576xf32, #tpu.memory_space<vmem>>, vector<1x1048576xf32>
    %get3A_6 = vector.shape_cast %get3A_5 : vector<1x1048576xf32> to vector<1048576xf32>
    %add3A = arith.addf %get3A_2, %get3A_6 : vector<1048576xf32>
    %swap3A = arith.constant 0 : index
    %swap3A_7 = vector.load %arg1[%swap3A] : memref<1048576xf32, #tpu.memory_space<vmem>>, vector<1048576xf32>
    tpu.vector_store %arg1[%swap3A], %add3A {strides = array<i32>} : memref<1048576xf32, #tpu.memory_space<vmem>>, vector<1048576xf32>,
    return
  }
}

</mosaic_0001>

<sc_bundles>
// kernel: kernel.5.cloned.1.call-start
scs
__scs_entry_jumppad:
0x0: {  	(pc) =	sbr.rel $0x88, $3  }
0x1: {  	(tag) =	ssettag $0x0;
	lr =	simm.s32 $0x1  }
0x2: {  	[smem:$0x3F9F] =	sst lr;
	_ =	strace $0xD0000000  }
0x3: {  	_ = 	snop  }
0x4: {  	_ = 	snop  }
0x5: {  	_ = 	snop  }
0x6: {  	_ = 	snop  }
0x7: {  	_ = 	snop  }
__scs_overlays_trampoline_lowered:
0x8: {  	[smem:$0x3FAE] =	sst s0  }
0x9: {  	[smem:$0x3FAF] =	sst s1  }
0xa: {  	[smem:$0x3FB0] =	sst s2  }
0xb: {  	[smem:$0x3FB1] =	sst s3  }
0xc: {  	[smem:$0x3FB2] =	sst s4  }
0xd: {  	[smem:$0x3FB3] =	sst s5  }
0xe: {  	[smem:$0x3FB4] =	sst s6  }
0xf: {  	[smem:$0x3FB5] =	sst s7  }
0x10: {  	[smem:$0x3FB6] =	sst s8  }
0x11: {  	[smem:$0x3FB7] =	sst s9;
	s0 =	simm.s32 @!p0 $0x0  }
0x12: {  	s1 =	sld [smem:$0x3F9D];
	s0 =	simm.s32 @p0 $0x1  }
0x13: {  	[smem:$0x3FB8] =	sst s0;
	s0 =	simm.s32 @!p1 $0x0  }
0x14: {  	s2 =	sld [smem:$0x3F9C];
	s0 =	simm.s32 @p1 $0x1  }
0x15: {  	[smem:$0x3FB9] =	sst s0;
	s0 =	simm.s32 @!p2 $0x0  }
0x16: {  	s3 =	sld [smem:$0x3FDB];
	s0 =	simm.s32 @p2 $0x1  }
0x17: {  	s4 =	simm.s32 $0x1BF5;
	[smem:$0x3FBB] =	sst s0  }
0x18: {  	s0 =	sld [smem:$0x3F9E];
	_ =	swait.ge [sflag:s4], $0x0  }
0x19: {  	s7 =	sld [smem:$0x3F9F]  }
0x1a: {  	s8 =	sadd.s32 $0xFFFFE003, lr  }
0x1b: {  	s9 =	sadd.s32 $0xFFFFFEF7, lr;
	s5 =	simm.s32 $0xFFFFFFFF;
	p2 =	slt.u32 s8, $0xFFFFF086  }
0x1c: {  	p1 =	slt.u32 s9, $0xF7A;
	s5 =	simm.s32 @!p2 $0x0  }
0x1d: {  	s5 =	simm.s32 @p1 $0x1;
	p0 =	seq.s32 s7, s2  }
0x1e: {  	s7 =	smul.u32 @!p0 $0xF7A, s2;
	p2 =	seq.s32 @!p0 s5, $0x0  }
0x1f: {  	s9 =	smul.u32 $0xF7A, s1;
	s8 =	simm.s32 @!p0 $0x1BF5;
	p2 =	por !p2, p0  }
0x20: {  	[sflag:s8] =	ssyncset.s32 @!p0 $0xFFFFF086;
	s6 =	sadd.s32 @!p0 s3, s7;
	s7 =	simm.s32 @!p0 $0x108  }
0x21: {  	s3 =	sadd.s32 s3, s9;
	s6 =	sadd.s32 @!p0 $0x88, s6;
	s7 =	simm.s32 @p2 $0x1082  }
0x22: {  	[simem:s7], [sflag:s8] =	dma.local @!p0 [hbm:s6], $0xF7A  }
0x23: {  	s9 =	sor.u32 $0xD0000000, s2;
	s6 =	simm.s32 $0x108;
	_ =	swait.ge @!p0 [sflag:s8], $0x0  }
0x24: {  	s3 =	sadd.s32 $0x88, s3;
	s6 =	simm.s32 @!p1 $0x1082;
	[sflag:s4] =	ssyncset.s32 $0xFFFFF086  }
0x25: {  	[simem:s6], [sflag:s4] =	dma.local [hbm:s3], $0xF7A  }
0x26: {  	[smem:$0x3F9F] =	sst s1;
	(tag) =	ssettag s2;
	_ =	strace s9  }
0x27: {  	s1 =	sld [smem:$0x3FAF]  }
0x28: {  	s2 =	sld [smem:$0x3FB0]  }
0x29: {  	s4 =	sld [smem:$0x3FB2]  }
0x2a: {  	p0 =	seq.s32 s5, $0x0;
	s5 =	sld [smem:$0x3FB3]  }
0x2b: {  	s6 =	sld [smem:$0x3FB4]  }
0x2c: {  	s7 =	sld [smem:$0x3FB5]  }
0x2d: {  	s3 =	simm.s32 $0x108;
	s8 =	sld [smem:$0x3FB6]  }
0x2e: {  	s3 =	simm.s32 @!p0 $0x1082;
	s9 =	sld [smem:$0x3FB7]  }
0x2f: {  	lr =	sadd.s32 s0, s3;
	s0 =	sld [smem:$0x3FAE]  }
0x30: {  	s3 =	sld [smem:$0x3FB1]  }
0x31: {  	[smem:$0x3FBA] =	sst s10  }
0x32: {  	s10 =	sld [smem:$0x3FB8];
	_ =	sdelay $0x3  }
0x33: {  	p0 =	seq.s32 s10, $0x1;
	s10 =	sld [smem:$0x3FBA];
	_ =	sdelay $0x3  }
0x34: {  	[smem:$0x3FBA] =	sst s10  }
0x35: {  	s10 =	sld [smem:$0x3FB9];
	_ =	sdelay $0x3  }
0x36: {  	p1 =	seq.s32 s10, $0x1;
	s10 =	sld [smem:$0x3FBA];
	_ =	sdelay $0x3  }
0x37: {  	[smem:$0x3FBA] =	sst s10  }
0x38: {  	s10 =	sld [smem:$0x3FBB]  }
0x39: {  	_ = 	snop;
	(pc) =	sbr.ind lr, $3  }
0x3a: {  	_ = 	snop  }
0x3b: {  	_ = 	snop  }
0x3c: {  	p2 =	seq.s32 s10, $0x1;
	s10 =	sld [smem:$0x3FBA]  }
0x3d: {  	_ =	shalt  }
0x3e: {  	_ =	shalt  }
0x3f: {  	_ =	shalt  }
0x40: {  	_ =	shalt  }
0x41: {  	_ =	shalt  }
0x42: {  	_ =	shalt  }
0x43: {  	_ =	shalt  }
0x44: {  	_ =	shalt  }
0x45: {  	_ =	shalt  }
0x46: {  	_ =	shalt  }
0x47: {  	_ =	shalt  }
0x48: {  	_ =	shalt  }
0x49: {  	_ =	shalt  }
0x4a: {  	_ =	shalt  }
0x4b: {  	_ =	shalt  }
0x4c: {  	_ =	shalt  }
0x4d: {  	_ =	shalt  }
0x4e: {  	_ =	shalt  }
0x4f: {  	_ =	shalt  }
0x50: {  	_ =	shalt  }
0x51: {  	_ =	shalt  }
0x52: {  	_ =	shalt  }
0x53: {  	_ =	shalt  }
0x54: {  	_ =	shalt  }
0x55: {  	_ =	shalt  }
0x56: {  	_ =	shalt  }
0x57: {  	_ =	shalt  }
0x58: {  	_ =	shalt  }
0x59: {  	_ =	shalt  }
0x5a: {  	_ =	shalt  }
0x5b: {  	_ =	shalt  }
0x5c: {  	_ =	shalt  }
0x5d: {  	_ =	shalt  }
0x5e: {  	_ =	shalt  }
0x5f: {  	_ =	shalt  }
0x60: {  	_ =	shalt  }
0x61: {  	_ =	shalt  }
0x62: {  	_ =	shalt  }
0x63: {  	_ =	shalt  }
0x64: {  	_ =	shalt  }
0x65: {  	_ =	shalt  }
0x66: {  	_ =	shalt  }
0x67: {  	_ =	shalt  }
0x68: {  	_ =	shalt  }
0x69: {  	_ =	shalt  }
0x6a: {  	_ =	shalt  }
0x6b: {  	_ =	shalt  }
0x6c: {  	_ =	shalt  }
0x6d: {  	_ =	shalt  }
0x6e: {  	_ =	shalt  }
0x6f: {  	_ =	shalt  }
0x70: {  	_ =	shalt  }
0x71: {  	_ =	shalt  }
0x72: {  	_ =	shalt  }
0x73: {  	_ =	shalt  }
0x74: {  	_ =	shalt  }
0x75: {  	_ =	shalt  }
0x76: {  	_ =	shalt  }
0x77: {  	_ =	shalt  }
0x78: {  	_ =	shalt  }
0x79: {  	_ =	shalt  }
0x7a: {  	_ =	shalt  }
0x7b: {  	_ =	shalt  }
0x7c: {  	_ =	shalt  }
0x7d: {  	_ =	shalt  }
0x7e: {  	_ =	shalt  }
0x7f: {  	_ =	shalt  }
0x80: {  	_ =	shalt  }
0x81: {  	_ =	shalt  }
0x82: {  	_ =	shalt  }
0x83: {  	_ =	shalt  }
0x84: {  	_ =	shalt  }
0x85: {  	_ =	shalt  }
0x86: {  	_ =	shalt  }
0x87: {  	_ =	shalt  }
.Lfunc_end0:
.L_simem_size_0:
called_computation_lowered:
.L_overlay_start_0:
0x88: {  	s2 =	sld [smem:$0x3FD9]  }
0x89: {  	s3 =	sld [smem:$0x3FFE];
	_ =	sdelay $0x1  }
0x8a: {  	s1 =	srdreg.scid  }
0x8b: {  	s0 =	sand.u32 $0x1, s1  }
0x8c: {  	s14 =	sshll.u32 s0, $0xA;
	s2 =	sadd.s32 s3, s2  }
0x8d: {  	s2 =	sadd.s32 s2, s14  }
0x8e: {  	[smem:$0x3FC6] =	sst s2  }
0x8f: {  	_ = 	snop  }
0x90: {  	s2 =	sld [smem:$0x3FD0];
	_ =	sdelay $0x2  }
0x91: {  	s15 =	simm.s32 $0xA;
	s4 =	simm.s32 $0x10  }
0x92: {  	[smem:s4], [sflag:s15] =	dma.local [hbm:s2], $0x1  }
0x93: {  	_ =	swait.eq [sflag:s15], $0x1  }
0x94: {  	[sflag:s15] =	ssyncset.done $0x0  }
0x95: {  	s16 =	sld [smem:$0x10];
	[sflag:s15] =	ssyncadd.s32 $0xFFFFFFFF  }
0x96: {  	s17 =	sld [smem:$0x11];
	(tm) =	ssettm $0x1  }
0x97: {  	s18 =	sld [smem:$0x3FFB];
	_ =	sdelay $0x3  }
0x98: {  	_ =	strace s18  }
0x99: {  	s4 =	sld [smem:$0x3FFC];
	_ =	sdelay $0x3  }
0x9a: {  	_ =	strace s4  }
0x9b: {  	s4 =	sld [smem:$0x3FFD];
	_ =	sdelay $0x3  }
0x9c: {  	_ =	strace s4  }
0x9d: {  	_ =	strace $0x8FFFFFFF  }
0x9e: {  	s19 =	sld [smem:$0x3FDB];
	_ =	sdelay $0x1  }
0x9f: {  	s5 =	simm.s32 $_scs_section_size  }
0xa0: {  	s6 =	simm.s32 $_size__tile_overlayer_lowered;
	s7 =	simm.s32 $_tile_overlayer_lowered  }
0xa1: {  	s22 =	simm.s32 $0x1BFF;
	s21 =	sshll.u32 s7, $0x1;
	s4 =	sadd.s32 s5, s19  }
0xa2: {  	s8 =	simm.s32 $0x0;
	s20 =	sshll.u32 s6, $0x1;
	s6 =	sadd.s32 s21, s4  }
0xa3: {  	[timem:s8], [sflag:s22] =	dma.local [hbm:s6], s20  }
0xa4: {  	_ =	swait.ge [sflag:s22], s20  }
0xa5: {  	s5 =	ssub.s32 $0x0, s20;
	[sflag:s22] =	ssyncset.done $0x0  }
0xa6: {  	[sflag:s22] =	ssyncadd.s32 s5;
	_ =	sdelay $0x1  }
0xa7: {  	s23 =	simm.s32 $0x1B8B  }
0xa8: {  	_ =	swait.ge [sflag:s23], $0x1  }
0xa9: {  	[sflag:s23] =	ssyncset.done $0x0  }
0xaa: {  	s25 =	simm.s32 $0x1B8E;
	s24 =	sld [smem:$0x3FFE];
	[sflag:s23] =	ssyncadd.s32 $0xFFFFFFFF  }
0xab: {  	s26 =	simm.s32 $execute0_lowered;
	[smem:$0x3FD2] =	sst s25  }
0xac: {  	s6 =	sshll.u32 s26, $0x1;
	_ =	strace $0x80000046;
	[dreg:$0x1] =	wrdreg $0xFFFFFFFF  }
0xad: {  	s28 =	simm.s32 $_size_execute0_lowered;
	s4 =	sadd.s32 s4, s6;
	[dreg:$0x0] =	wrdreg $0x0  }
0xae: {  	s6 =	sshll.u32 s28, $0x1;
	[dreg:$0x2] =	wrdreg s4  }
0xaf: {  	[dreg:$0x3] =	wrdreg s6  }
0xb0: {  	[dreg:$0x4] =	wrdreg $0xC0  }
0xb1: {  	_ =	task [dreg:s8], $0x5FFFF  }
0xb2: {  	[dreg:$0x1] =	wrdreg $0xFFFFFFFF  }
0xb3: {  	[dreg:$0x0] =	wrdreg $0x60  }
0xb4: {  	[dreg:$0x2] =	wrdreg s16  }
0xb5: {  	[dreg:$0x3] =	wrdreg s17  }
0xb6: {  	[dreg:$0x4] =	wrdreg s24  }
0xb7: {  	[dreg:$0x5] =	wrdreg $0x80800  }
0xb8: {  	[dreg:$0x6] =	wrdreg $0x9  }
0xb9: {  	_ =	task.clear_ibuf [dreg:s8], $0x7FFFF;
	_ =	strace $0x90000046  }
0xba: {  	s29 =	simm.s32 $0x9;
	_ =	strace $0x80000048  }
0xbb: {  	_ =	swait.ge [sflag:s29], $0x1  }
0xbc: {  	[sflag:s29] =	ssyncadd.s32 $0xFFFFFFFF  }
0xbd: {  	_ =	strace $0x90000048  }
0xbe: {  	_ =	sfence  }
0xbf: {  	s30 =	sld [smem:$0x0];
	_ =	sdelay $0x2  }
0xc0: {  	s31 =	sshll.u32 s1, $0xD;
	s1 =	sshrl.u32 s1, $0x2  }
0xc1: {  	s3 =	sand.u32 $0x4000, s31;
	s1 =	sadd.s32 s1, s30  }
0xc2: {  	s0 =	sor.u32 s3, s0;
	s1 =	sshll.u32 s1, $0x11  }
0xc3: {  	s0 =	sor.u32 s1, s0  }
0xc4: {  	s0 =	sadd.s32 $0x8F2B, s0  }
0xc5: {  	[sflag:s0] =	ssyncadd.remote.s32 $0x1  }
0xc6: {  	_ =	sfence.sel $0xFFFF  }
0xc7: {  	[dreg:$0x0] =	wrdreg $0xFFFFFFFF;
	(pc) =	sbr.abs _section_cstart, $3  }
0xc8: {  	[dreg:$0x1] =	wrdreg $0xFFFFFFFF  }
0xc9: {  	_ =	task.clear_ibuf [dreg:s8], $0x2FFFF;
	_ =	strace $0x9FFFFFFF  }
0xca: {  	(tm) =	ssettm $0x7FFFFFFF  }
0xcb: {  	_ =	shalt  }
tec
execute0_lowered:
.L_overlay_start_1:
0x0: {  	(tag) =	ssettag $0x1  }
0x1: {  	s4 =	rddreg [dreg:$0x0]  }
0x2: {  	s1 =	rddreg [dreg:$0x1]  }
0x3: {  	s5 =	rddreg [dreg:$0x2]  }
0x4: {  	s2 =	rddreg [dreg:$0x3]  }
0x5: {  	s0 =	rddreg [dreg:$0x4];
	s3 =	simm.s32 $0x0;
	s6 =	srdreg.scid  }
0x6: {  	s8 =	stileid.u32;
	s11 =	simm.s32 $0x0;
	[smem:$0x7FF] =	sst s3  }
0x7: {  	s6 =	sand.u32 $0x1, s6;
	s10 =	sshll.u32 s8, $0xC;
	p0 =	sne.s32 s8, $0x0  }
0x8: {  	s8 =	simm.s32 $0x1;
	_ =	strace $0x80000047;
	s7 =	sshll.u32 s6, $0x4  }
0x9: {  	s9 =	ssub.s32 $0x2, s6;
	s6 =	sshll.u32 s6, $0x10;
	s4 =	sadd.s32 s4, s10  }
0xa: {  	s10 =	simm.s32 $0x8000;
	s5 =	sadd.s32 s7, s5;
	s31 =	sshrl.u32 s9, $0x1  }
0xb: {  	s4 =	sadd.s32 s6, s4;
	s7 =	ssub.s32 s9, s31;
	s5 =	sadd.s32 $0x800, s5  }
0xc: {  	v0 =	vimm.f32 $1.000000000e+00;
	s9 =	simm.s32 $0x80;
	s6 =	smax.u32 s7, $0x1;
	s7 =	sshrl.u32 @!p0 s2, $0x3  }
.LBB2_1:
0xd: {  	[tilespmem:$0x8000] =	vst v0  }
0xe: {  	[tilespmem:$0x8010] =	vst v0  }
0xf: {  	[tilespmem:$0x8020] =	vst v0  }
0x10: {  	[tilespmem:$0x8030] =	vst v0  }
0x11: {  	[tilespmem:$0x8040] =	vst v0  }
0x12: {  	[tilespmem:$0x8050] =	vst v0  }
0x13: {  	[tilespmem:$0x8060] =	vst v0  }
0x14: {  	[tilespmem:$0x8070] =	vst v0;
	s12 =	simm.s32 @!p0 $0x1C01  }
0x15: {  	[spmem:s7], [sflag:s12] =	dma.local @!p0 [hbm:s1], $0x20000  }
0x16: {  	s12 =	simm.s32 @!p0 $0x1  }
0x17: {  	_ =	swait.ge @!p0 [sflag:s12], $0x20000  }
0x18: {  	[sflag:s12] =	ssyncset.done @!p0 $0x0  }
0x19: {  	[sflag:s12] =	ssyncadd.s32 @!p0 $0xFFFE0000  }
0x1a: {  	[tilespmem:s3], [sflag:$0x1] =	stream.linear.gather [hbm4b:s4+s3], $0x8000, $0x38;
	[tilespmem:$0x18080] =	vst v63  }
0x1b: {  	_ =	swait.ge [sflag:s8], $0x8000  }
0x1c: {  	[sflag:s8] =	ssyncset.done $0x0  }
0x1d: {  	[sflag:s8] =	ssyncadd.s32 $0xFFFF8000  }
0x1e: {  	s31 =	simm.s32 $0x0;
	[bflag:$0x0] =	sbarrier.arrive $0xFFFF  }
0x1f: {  	[spmem:s2] =	stream.indirect.scatter.add.f32 [tilespmem:s10], [sflag:$0x1], $0x1, s31, s9, $0xb8;
	[tilespmem:$0x18080] =	vst v63  }
0x20: {  	_ =	swait.ge [sflag:s8], $0x80  }
0x21: {  	s12 =	simm.s32 $0x200;
	[sflag:s8] =	ssyncset.done $0x0  }
.LBB2_2:
0x22: {  	s13 =	sshra.s32 s12, $0x2;
	[sflag:s8] =	ssyncadd.s32 $0xFFFFFF80;
	p1 =	sne.s32 s12, $0x1FE00  }
0x23: {  	[spmem:s2] =	stream.indirect.scatter.add.f32 [tilespmem:s10], [sflag:$0x1], $0x1, s13, s9, $0xb8;
	[tilespmem:$0x18080] =	vst v63  }
.Ltmp0:
0x24: {  	_ = 	snop;
	(pc) =	sbr.rel @p1 .LBB2_2-.Ltmp0, $4  }
0x25: {  	_ = 	snop  }
0x26: {  	s12 =	sadd.s32 $0x200, s12  }
0x27: {  	_ =	swait.ge [sflag:s8], $0x80  }
0x28: {  	[sflag:s8] =	ssyncset.done $0x0  }
0x29: {  	[sflag:s8] =	ssyncadd.s32 $0xFFFFFF80;
	s12 =	simm.s32 @!p0 $0x1;
	s11 =	sadd.s32 $0x1, s11  }
0x2a: {  	s13 =	simm.s32 @!p0 $0x20;
	s14 =	simm.s32 @!p0 $0x10;
	p1 =	sne.s32 s11, s6  }
.Ltmp1:
0x2b: {  	s15 =	simm.s32 @!p0 $0x1C01;
	[bflag:$0x0] =	sbarrier.arrive $0xFFFF;
	(pc) =	sbr.rel @p1 .LBB2_1-.Ltmp1, $4  }
0x2c: {  	[hbm:s5@s13], [sflag:s15] =	dma.strided @!p0 [spmem:s7@s14], $0x20000, s12, $0x10   }
0x2d: {  	_ =	swait.ge @!p0 [sflag:s12], $0x20000  }
0x2e: {  	[sflag:s12] =	ssyncset.done @!p0 $0x0  }
0x2f: {  	[sflag:s12] =	ssyncadd.s32 @!p0 $0xFFFE0000  }
0x30: {  	_ =	sfence.sel $0x180000  }
0x31: {  	[bflag:$0x0] =	sbarrier.arrive $0xFFFF  }
0x32: {  	_ =	strace $0x90000047  }
0x33: {  	s0 =	sadd.s32 @!p0 $0x100000, s0;
	[bflag:$0x2] =	sbarrier.arrive $0xFFFF  }
0x34: {  	[sflag:s0] =	ssyncadd.tile.s32 @!p0 $0x1;
	_ =	shalt  }
.Lfunc_end2:
_tile_overlayer_lowered:
.L_overlay_start_2:
0x35: {  	(tag) =	ssettag $0x2  }
0x36: {  	s0 =	rddreg [dreg:$0x0];
	s2 =	stileid.u32  }
0x37: {  	s1 =	rddreg [dreg:$0x1];
	p0 =	sne.s32 s2, $0x0  }
0x38: {  	s3 =	rddreg [dreg:$0x2];
	[bflag:$0x3] =	sbarrier.arrive $0xFFFF;
	s2 =	simm.s32 @!p0 $0x1C01  }
0x39: {  	[timem:s3], [sflag:s2] =	dma.local @!p0 [hbm:s0], s1  }
0x3a: {  	s0 =	simm.s32 @!p0 $0x1  }
0x3b: {  	_ =	swait.ge @!p0 [sflag:s0], s1  }
0x3c: {  	s1 =	ssub.s32 @!p0 $0x0, s1;
	[sflag:s0] =	ssyncset.done @!p0 $0x0  }
0x3d: {  	[sflag:s0] =	ssyncadd.s32 @!p0 s1  }
0x3e: {  	[bflag:$0x3] =	sbarrier.arrive $0xFFFF  }
0x3f: {  	_ =	shalt  }

</sc_bundles>
